<compile_context>
chip_gen: v7x
topology: tpu7x:2x2x1
jax: 0.10.2.dev20260603
libtpu: 0.0.44.dev20260713+nightly
codegen_flags: <defaults>
</compile_context>

<pallas_src>
import functools

import jax
import jax.numpy as jnp
from jax import lax
from jax.experimental import pallas as pl
from jax.experimental.pallas import tpu as pltpu
from jax.experimental.pallas import tpu_sc as plsc

D_MODEL = 128
NUM_WORKERS = 32
CHUNK = 128


NBUF = 3
LEAD = 2


def _gather_body(n_per_w, n_chunks, tab_rows, tab_hbm, idx_hbm, out_hbm,
                 idx_v, tab_sh, bufs, gsems, ssems):
    sub = lax.axis_index("s")
    wid = sub * 2 + lax.axis_index("c")
    base = wid * n_per_w

    rows_per_sub = tab_rows // 16
    pltpu.sync_copy(tab_hbm.at[pl.ds(sub * rows_per_sub, rows_per_sub)],
                    tab_sh.at[pl.ds(sub * rows_per_sub, rows_per_sub)])
    pltpu.sync_copy(idx_hbm.at[pl.ds(base, n_per_w)], idx_v)
    plsc.subcore_barrier()

    def issue_gather(c, slot):
        pltpu.async_copy(
            tab_sh.at[idx_v.at[pl.ds(c * CHUNK, CHUNK)]], bufs[slot],
            gsems[slot])

    def issue_scatter(c, slot):
        pltpu.async_copy(
            bufs[slot], out_hbm.at[pl.ds(base + c * CHUNK, CHUNK)],
            ssems[slot])

    def wait_gather(slot):
        pltpu.make_async_copy(
            tab_hbm.at[idx_v.at[pl.ds(0, CHUNK)]], bufs[slot],
            gsems[slot]).wait()

    def wait_scatter(slot):
        pltpu.make_async_copy(
            bufs[slot], out_hbm.at[pl.ds(base, CHUNK)],
            ssems[slot]).wait()

    for c in range(LEAD):
        issue_gather(c, c)

    def step(i, _):
        for s in range(NBUF):
            c = i * NBUF + s
            pre = c + LEAD
            pre_slot = (s + LEAD) % NBUF

            @pl.when(pre < n_chunks)
            def _():
                @pl.when(pre >= NBUF)
                def _():
                    wait_scatter(pre_slot)
                issue_gather(pre, pre_slot)

            wait_gather(s)
            issue_scatter(c, s)
        return ()

    lax.fori_loop(0, n_chunks // NBUF, step, (), unroll=False)

    for c in range(n_chunks - n_chunks % NBUF, n_chunks):
        wait_gather(c % NBUF)
        issue_scatter(c, c % NBUF)

    for slot in range(NBUF):
        wait_scatter(slot)


def _make_sc_gather(n_rows, tab_rows):
    n_per_w = n_rows // NUM_WORKERS
    n_chunks = n_per_w // CHUNK
    mesh = plsc.VectorSubcoreMesh(core_axis_name="c", subcore_axis_name="s")
    return pl.kernel(
        functools.partial(_gather_body, n_per_w, n_chunks, tab_rows),
        out_type=jax.ShapeDtypeStruct((n_rows, D_MODEL), jnp.float32),
        mesh=mesh,
        scratch_types=[
            pltpu.VMEM((n_per_w,), jnp.int32),
            pltpu.VMEM_SHARED((tab_rows, D_MODEL), jnp.float32),
            [pltpu.VMEM((CHUNK, D_MODEL), jnp.float32)
             for _ in range(NBUF)],
            [pltpu.SemaphoreType.DMA for _ in range(NBUF)],
            [pltpu.SemaphoreType.DMA for _ in range(NBUF)],
        ],
        name="sc_embedding_gather",
    )


@jax.jit
def kernel(time_interval, pe):
    b, t = time_interval.shape
    idx_flat = time_interval.reshape(-1).astype(jnp.int32)
    out = _make_sc_gather(b * t, pe.shape[0])(pe, idx_flat)
    return out.reshape(b, t, D_MODEL)

# --- scband reference (transcript-rebuilt; emitter-appended) ---
"""Pipeline reference for scband-positional-embedding-26139170963544 (READ-ONLY COPY).

The authoritative reference and input builder live on the scoring server;
editing this copy changes nothing except your own understanding.
"""

import jax, jax.numpy as jnp
import numpy as np
import math

D_MODEL = 128
MAX_LEN = 8192


def _build_pe():
    position = jnp.arange(0, MAX_LEN, dtype=jnp.float32)[:, None]
    div_term = jnp.exp(jnp.arange(0, D_MODEL, 2, dtype=jnp.float32) * -(math.log(100000.0) / D_MODEL))
    pe = jnp.zeros((MAX_LEN, D_MODEL), dtype=jnp.float32)
    pe = pe.at[:, 0::2].set(jnp.sin(position * div_term))
    pe = pe.at[:, 1::2].set(jnp.cos(position * div_term))
    return pe


def setup_inputs(seed: int = 0) -> dict:
    key = jax.random.key(seed)
    time_interval = jax.random.randint(key, (1024, 200), 0, MAX_LEN, dtype=jnp.int64 if jax.config.jax_enable_x64 else jnp.int32)
    pe = _build_pe()
    return {"time_interval": time_interval, "pe": pe}


def reference(time_interval, pe):
    # nn.Embedding lookup: gather rows of the (frozen) positional table
    return jnp.take(pe, time_interval, axis=0)

if __name__ == "__main__":
    import jax
    _d = setup_inputs()
    print(jax.jit(kernel)(*tuple(_d.values())))

</pallas_src>

<mosaic_0001>
#map = affine_map<(d0, d1) -> (0, 0)>
#map1 = affine_map<(d0, d1) -> (0)>
module attributes {stable_mosaic.version = 14 : i64} {
  func.func @sc_embedding_gather(%arg0: i32, %arg1: i32, %arg2: memref<8192x128xf32, #tpu.memory_space<hbm>>, %arg3: memref<204800xi32, #tpu.memory_space<hbm>>, %arg4: memref<204800x128xf32, #tpu.memory_space<hbm>>, %arg5: memref<6400xi32, #tpu.memory_space<vmem>>, %arg6: memref<8192x128xf32, #tpu.memory_space<vmem_shared>>, %arg7: memref<128x128xf32, #tpu.memory_space<vmem>>, %arg8: memref<128x128xf32, #tpu.memory_space<vmem>>, %arg9: memref<128x128xf32, #tpu.memory_space<vmem>>, %arg10: memref<!tpu.dma_semaphore, #tpu.memory_space<semaphore_mem>>, %arg11: memref<!tpu.dma_semaphore, #tpu.memory_space<semaphore_mem>>, %arg12: memref<!tpu.dma_semaphore, #tpu.memory_space<semaphore_mem>>, %arg13: memref<!tpu.dma_semaphore, #tpu.memory_space<semaphore_mem>>, %arg14: memref<!tpu.dma_semaphore, #tpu.memory_space<semaphore_mem>>, %arg15: memref<!tpu.dma_semaphore, #tpu.memory_space<semaphore_mem>>) attributes {dimension_semantics = [#tpu.dimension_semantics<core_parallel>, #tpu.dimension_semantics<subcore_parallel>], iteration_bounds = array<i64: 2, 16>, scalar_prefetch = 0 : i64, scratch_operands = 11 : i64, tpu.core_type = #tpu.core_type<sc_vector_subcore>, window_params = [{transform_indices = #map}, {transform_indices = #map1}, {transform_indices = #map}]} {
    %mul3A = arith.constant 2 : i32
    %mul3A_0 = arith.muli %arg1, %mul3A : i32
    %add3A = arith.addi %mul3A_0, %arg0 : i32
    %mul3A_1 = arith.constant 6400 : i32
    %mul3A_2 = arith.muli %add3A, %mul3A_1 : i32
    %mul3A_3 = arith.constant 512 : i32
    %mul3A_4 = arith.muli %arg1, %mul3A_3 : i32
    %mul3A_5 = arith.constant 512 : i32
    %mul3A_6 = arith.muli %arg1, %mul3A_5 : i32
    "tpu.region"() ({
      %run_scoped3A = tpu.sem_alloc : memref<!tpu.dma_semaphore, #tpu.memory_space<semaphore_mem>>
      %dma_start3A_53 = arith.constant 0 : i32
      %dma_start3A_54 = tpu.memref_slice %arg6[%mul3A_6, %dma_start3A_53] : memref<8192x128xf32, #tpu.memory_space<vmem_shared>> -> memref<512x128xf32, #tpu.memory_space<vmem_shared>>
      %dma_start3A_55 = arith.constant 0 : i32
      %dma_start3A_56 = tpu.memref_slice %arg2[%mul3A_4, %dma_start3A_55] : memref<8192x128xf32, #tpu.memory_space<hbm>> -> memref<512x128xf32, #tpu.memory_space<hbm>>
      tpu.enqueue_dma source(%dma_start3A_56 : memref<512x128xf32, #tpu.memory_space<hbm>>) target(%dma_start3A_54 : memref<512x128xf32, #tpu.memory_space<vmem_shared>>) target_semaphore(%run_scoped3A : memref<!tpu.dma_semaphore, #tpu.memory_space<semaphore_mem>>)
      %dma_wait3A_57 = arith.constant 0 : i32
      %dma_wait3A_58 = tpu.memref_slice %arg6[%mul3A_6, %dma_wait3A_57] : memref<8192x128xf32, #tpu.memory_space<vmem_shared>> -> memref<512x128xf32, #tpu.memory_space<vmem_shared>>
      %dma_wait3A_59 = arith.constant 0 : i32
      %dma_wait3A_60 = tpu.memref_slice %arg2[%mul3A_4, %dma_wait3A_59] : memref<8192x128xf32, #tpu.memory_space<hbm>> -> memref<512x128xf32, #tpu.memory_space<hbm>>
      tpu.wait_dma2 semaphore(%run_scoped3A : memref<!tpu.dma_semaphore, #tpu.memory_space<semaphore_mem>>) src(%dma_wait3A_60 : memref<512x128xf32, #tpu.memory_space<hbm>>) dst(%dma_wait3A_58 : memref<512x128xf32, #tpu.memory_space<vmem_shared>>)
      tpu.yield
    }) : () -> ()
    "tpu.region"() ({
      %run_scoped3A = tpu.sem_alloc : memref<!tpu.dma_semaphore, #tpu.memory_space<semaphore_mem>>
      %dma_start3A_53 = tpu.memref_slice %arg3[%mul3A_2] : memref<204800xi32, #tpu.memory_space<hbm>> -> memref<6400xi32, #tpu.memory_space<hbm>>
      %dma_start3A_54 = tpu.memref_slice %arg3[%mul3A_2] : memref<204800xi32, #tpu.memory_space<hbm>> -> memref<6400xi32, #tpu.memory_space<hbm>>
      tpu.enqueue_dma source(%dma_start3A_54 : memref<6400xi32, #tpu.memory_space<hbm>>) target(%arg5 : memref<6400xi32, #tpu.memory_space<vmem>>) target_semaphore(%run_scoped3A : memref<!tpu.dma_semaphore, #tpu.memory_space<semaphore_mem>>)
      %dma_wait3A_55 = tpu.memref_slice %arg3[%mul3A_2] : memref<204800xi32, #tpu.memory_space<hbm>> -> memref<6400xi32, #tpu.memory_space<hbm>>
      %dma_wait3A_56 = tpu.memref_slice %arg3[%mul3A_2] : memref<204800xi32, #tpu.memory_space<hbm>> -> memref<6400xi32, #tpu.memory_space<hbm>>
      tpu.wait_dma2 semaphore(%run_scoped3A : memref<!tpu.dma_semaphore, #tpu.memory_space<semaphore_mem>>) src(%dma_wait3A_56 : memref<6400xi32, #tpu.memory_space<hbm>>) dst(%arg5 : memref<6400xi32, #tpu.memory_space<vmem>>)
      tpu.yield
    }) : () -> ()
    %barrier3A = arith.constant 0 : index
    tpu.barrier barrier_id(%barrier3A)
    %dma_start3A = arith.constant 0 : i32
    %dma_start3A_7 = tpu.memref_slice %arg5[%dma_start3A] : memref<6400xi32, #tpu.memory_space<vmem>> -> memref<128xi32, #tpu.memory_space<vmem>>
    %dma_start3A_8 = arith.constant 0 : i32
    %dma_start3A_9 = arith.constant 0 : i32
    %dma_start3A_10 = tpu.memref_slice %arg6[%dma_start3A_8, %dma_start3A_9] : memref<8192x128xf32, #tpu.memory_space<vmem_shared>> -> memref<8192x128xf32, #tpu.memory_space<vmem_shared>>
    tpu.enqueue_indirect_dma source(%dma_start3A_10 : memref<8192x128xf32, #tpu.memory_space<vmem_shared>>) target(%arg7 : memref<128x128xf32, #tpu.memory_space<vmem>>) offsets(%dma_start3A_7 : memref<128xi32, #tpu.memory_space<vmem>>) semaphore(%arg10 : memref<!tpu.dma_semaphore, #tpu.memory_space<semaphore_mem>>)
    %dma_start3A_11 = arith.constant 128 : i32
    %dma_start3A_12 = tpu.memref_slice %arg5[%dma_start3A_11] : memref<6400xi32, #tpu.memory_space<vmem>> -> memref<128xi32, #tpu.memory_space<vmem>>
    %dma_start3A_13 = arith.constant 0 : i32
    %dma_start3A_14 = arith.constant 0 : i32
    %dma_start3A_15 = tpu.memref_slice %arg6[%dma_start3A_13, %dma_start3A_14] : memref<8192x128xf32, #tpu.memory_space<vmem_shared>> -> memref<8192x128xf32, #tpu.memory_space<vmem_shared>>
    tpu.enqueue_indirect_dma source(%dma_start3A_15 : memref<8192x128xf32, #tpu.memory_space<vmem_shared>>) target(%arg8 : memref<128x128xf32, #tpu.memory_space<vmem>>) offsets(%dma_start3A_12 : memref<128xi32, #tpu.memory_space<vmem>>) semaphore(%arg11 : memref<!tpu.dma_semaphore, #tpu.memory_space<semaphore_mem>>)
    %scan3A = arith.constant 0 : i32
    %scan3A_16 = arith.constant 16 : i32
    %scan3A_17 = arith.addi %scan3A, %scan3A_16 : i32
    %scan3A_18 = arith.constant 1 : i32
    scf.for %scan3A_53 = %scan3A to %scan3A_17 step %scan3A_18  : i32 {
      %mul3A_54 = arith.constant 3 : i32
      %mul3A_55 = arith.muli %scan3A_53, %mul3A_54 : i32
      %add3A_56 = arith.constant 0 : i32
      %add3A_57 = arith.addi %mul3A_55, %add3A_56 : i32
      %add3A_58 = arith.constant 2 : i32
      %add3A_59 = arith.addi %add3A_57, %add3A_58 : i32
      %lt3A = arith.constant 50 : i32
      %lt3A_60 = arith.cmpi slt, %add3A_59, %lt3A : i32
      %convert_element_type3A = arith.extui %lt3A_60 : i1 to i32
      %cond3A = arith.constant 0 : i32
      %cond3A_61 = arith.cmpi ne, %convert_element_type3A, %cond3A : i32
      scf.if %cond3A_61 {
        %ge3A = arith.constant 3 : i32
        %ge3A_120 = arith.cmpi sge, %add3A_59, %ge3A : i32
        %convert_element_type3A_121 = arith.extui %ge3A_120 : i1 to i32
        %cond3A_122 = arith.constant 0 : i32
        %cond3A_123 = arith.cmpi ne, %convert_element_type3A_121, %cond3A_122 : i32
        scf.if %cond3A_123 {
          %dma_wait3A_130 = arith.constant 0 : i32
          %dma_wait3A_131 = tpu.memref_slice %arg4[%mul3A_2, %dma_wait3A_130] : memref<204800x128xf32, #tpu.memory_space<hbm>> -> memref<128x128xf32, #tpu.memory_space<hbm>>
          %dma_wait3A_132 = arith.constant 0 : i32
          %dma_wait3A_133 = tpu.memref_slice %arg4[%mul3A_2, %dma_wait3A_132] : memref<204800x128xf32, #tpu.memory_space<hbm>> -> memref<128x128xf32, #tpu.memory_space<hbm>>
          tpu.wait_dma2 semaphore(%arg15 : memref<!tpu.dma_semaphore, #tpu.memory_space<semaphore_mem>>) src(%arg9 : memref<128x128xf32, #tpu.memory_space<vmem>>) dst(%dma_wait3A_133 : memref<128x128xf32, #tpu.memory_space<hbm>>)
        } else {
        }
        %mul3A_124 = arith.constant 128 : i32
        %mul3A_125 = arith.muli %add3A_59, %mul3A_124 : i32
        %dma_start3A_126 = tpu.memref_slice %arg5[%mul3A_125] : memref<6400xi32, #tpu.memory_space<vmem>> -> memref<128xi32, #tpu.memory_space<vmem>>
        %dma_start3A_127 = arith.constant 0 : i32
        %dma_start3A_128 = arith.constant 0 : i32
        %dma_start3A_129 = tpu.memref_slice %arg6[%dma_start3A_127, %dma_start3A_128] : memref<8192x128xf32, #tpu.memory_space<vmem_shared>> -> memref<8192x128xf32, #tpu.memory_space<vmem_shared>>
        tpu.enqueue_indirect_dma source(%dma_start3A_129 : memref<8192x128xf32, #tpu.memory_space<vmem_shared>>) target(%arg9 : memref<128x128xf32, #tpu.memory_space<vmem>>) offsets(%dma_start3A_126 : memref<128xi32, #tpu.memory_space<vmem>>) semaphore(%arg12 : memref<!tpu.dma_semaphore, #tpu.memory_space<semaphore_mem>>)
      } else {
      }
      %dma_wait3A_62 = arith.constant 0 : i32
      %dma_wait3A_63 = tpu.memref_slice %arg5[%dma_wait3A_62] : memref<6400xi32, #tpu.memory_space<vmem>> -> memref<128xi32, #tpu.memory_space<vmem>>
      %dma_wait3A_64 = arith.constant 0 : i32
      %dma_wait3A_65 = arith.constant 0 : i32
      %dma_wait3A_66 = tpu.memref_slice %arg2[%dma_wait3A_64, %dma_wait3A_65] : memref<8192x128xf32, #tpu.memory_space<hbm>> -> memref<8192x128xf32, #tpu.memory_space<hbm>>
      tpu.wait_indirect_dma semaphore(%arg10 : memref<!tpu.dma_semaphore, #tpu.memory_space<semaphore_mem>>) src(%dma_wait3A_66 : memref<8192x128xf32, #tpu.memory_space<hbm>>) dst(%arg7 : memref<128x128xf32, #tpu.memory_space<vmem>>)
      %mul3A_67 = arith.constant 128 : i32
      %mul3A_68 = arith.muli %add3A_57, %mul3A_67 : i32
      %add3A_69 = arith.addi %mul3A_2, %mul3A_68 : i32
      %dma_start3A_70 = arith.constant 0 : i32
      %dma_start3A_71 = tpu.memref_slice %arg4[%add3A_69, %dma_start3A_70] : memref<204800x128xf32, #tpu.memory_space<hbm>> -> memref<128x128xf32, #tpu.memory_space<hbm>>
      %dma_start3A_72 = arith.constant 0 : i32
      %dma_start3A_73 = tpu.memref_slice %arg4[%add3A_69, %dma_start3A_72] : memref<204800x128xf32, #tpu.memory_space<hbm>> -> memref<128x128xf32, #tpu.memory_space<hbm>>
      tpu.enqueue_dma source(%arg7 : memref<128x128xf32, #tpu.memory_space<vmem>>) target(%dma_start3A_73 : memref<128x128xf32, #tpu.memory_space<hbm>>) target_semaphore(%arg13 : memref<!tpu.dma_semaphore, #tpu.memory_space<semaphore_mem>>)
      %mul3A_74 = arith.constant 3 : i32
      %mul3A_75 = arith.muli %scan3A_53, %mul3A_74 : i32
      %add3A_76 = arith.constant 1 : i32
      %add3A_77 = arith.addi %mul3A_75, %add3A_76 : i32
      %add3A_78 = arith.constant 2 : i32
      %add3A_79 = arith.addi %add3A_77, %add3A_78 : i32
      %lt3A_80 = arith.constant 50 : i32
      %lt3A_81 = arith.cmpi slt, %add3A_79, %lt3A_80 : i32
      %convert_element_type3A_82 = arith.extui %lt3A_81 : i1 to i32
      %cond3A_83 = arith.constant 0 : i32
      %cond3A_84 = arith.cmpi ne, %convert_element_type3A_82, %cond3A_83 : i32
      scf.if %cond3A_84 {
        %ge3A = arith.constant 3 : i32
        %ge3A_120 = arith.cmpi sge, %add3A_79, %ge3A : i32
        %convert_element_type3A_121 = arith.extui %ge3A_120 : i1 to i32
        %cond3A_122 = arith.constant 0 : i32
        %cond3A_123 = arith.cmpi ne, %convert_element_type3A_121, %cond3A_122 : i32
        scf.if %cond3A_123 {
          %dma_wait3A_130 = arith.constant 0 : i32
          %dma_wait3A_131 = tpu.memref_slice %arg4[%mul3A_2, %dma_wait3A_130] : memref<204800x128xf32, #tpu.memory_space<hbm>> -> memref<128x128xf32, #tpu.memory_space<hbm>>
          %dma_wait3A_132 = arith.constant 0 : i32
          %dma_wait3A_133 = tpu.memref_slice %arg4[%mul3A_2, %dma_wait3A_132] : memref<204800x128xf32, #tpu.memory_space<hbm>> -> memref<128x128xf32, #tpu.memory_space<hbm>>
          tpu.wait_dma2 semaphore(%arg13 : memref<!tpu.dma_semaphore, #tpu.memory_space<semaphore_mem>>) src(%arg7 : memref<128x128xf32, #tpu.memory_space<vmem>>) dst(%dma_wait3A_133 : memref<128x128xf32, #tpu.memory_space<hbm>>)
        } else {
        }
        %mul3A_124 = arith.constant 128 : i32
        %mul3A_125 = arith.muli %add3A_79, %mul3A_124 : i32
        %dma_start3A_126 = tpu.memref_slice %arg5[%mul3A_125] : memref<6400xi32, #tpu.memory_space<vmem>> -> memref<128xi32, #tpu.memory_space<vmem>>
        %dma_start3A_127 = arith.constant 0 : i32
        %dma_start3A_128 = arith.constant 0 : i32
        %dma_start3A_129 = tpu.memref_slice %arg6[%dma_start3A_127, %dma_start3A_128] : memref<8192x128xf32, #tpu.memory_space<vmem_shared>> -> memref<8192x128xf32, #tpu.memory_space<vmem_shared>>
        tpu.enqueue_indirect_dma source(%dma_start3A_129 : memref<8192x128xf32, #tpu.memory_space<vmem_shared>>) target(%arg7 : memref<128x128xf32, #tpu.memory_space<vmem>>) offsets(%dma_start3A_126 : memref<128xi32, #tpu.memory_space<vmem>>) semaphore(%arg10 : memref<!tpu.dma_semaphore, #tpu.memory_space<semaphore_mem>>)
      } else {
      }
      %dma_wait3A_85 = arith.constant 0 : i32
      %dma_wait3A_86 = tpu.memref_slice %arg5[%dma_wait3A_85] : memref<6400xi32, #tpu.memory_space<vmem>> -> memref<128xi32, #tpu.memory_space<vmem>>
      %dma_wait3A_87 = arith.constant 0 : i32
      %dma_wait3A_88 = arith.constant 0 : i32
      %dma_wait3A_89 = tpu.memref_slice %arg2[%dma_wait3A_87, %dma_wait3A_88] : memref<8192x128xf32, #tpu.memory_space<hbm>> -> memref<8192x128xf32, #tpu.memory_space<hbm>>
      tpu.wait_indirect_dma semaphore(%arg11 : memref<!tpu.dma_semaphore, #tpu.memory_space<semaphore_mem>>) src(%dma_wait3A_89 : memref<8192x128xf32, #tpu.memory_space<hbm>>) dst(%arg8 : memref<128x128xf32, #tpu.memory_space<vmem>>)
      %mul3A_90 = arith.constant 128 : i32
      %mul3A_91 = arith.muli %add3A_77, %mul3A_90 : i32
      %add3A_92 = arith.addi %mul3A_2, %mul3A_91 : i32
      %dma_start3A_93 = arith.constant 0 : i32
      %dma_start3A_94 = tpu.memref_slice %arg4[%add3A_92, %dma_start3A_93] : memref<204800x128xf32, #tpu.memory_space<hbm>> -> memref<128x128xf32, #tpu.memory_space<hbm>>
      %dma_start3A_95 = arith.constant 0 : i32
      %dma_start3A_96 = tpu.memref_slice %arg4[%add3A_92, %dma_start3A_95] : memref<204800x128xf32, #tpu.memory_space<hbm>> -> memref<128x128xf32, #tpu.memory_space<hbm>>
      tpu.enqueue_dma source(%arg8 : memref<128x128xf32, #tpu.memory_space<vmem>>) target(%dma_start3A_96 : memref<128x128xf32, #tpu.memory_space<hbm>>) target_semaphore(%arg14 : memref<!tpu.dma_semaphore, #tpu.memory_space<semaphore_mem>>)
      %mul3A_97 = arith.constant 3 : i32
      %mul3A_98 = arith.muli %scan3A_53, %mul3A_97 : i32
      %add3A_99 = arith.constant 2 : i32
      %add3A_100 = arith.addi %mul3A_98, %add3A_99 : i32
      %add3A_101 = arith.constant 2 : i32
      %add3A_102 = arith.addi %add3A_100, %add3A_101 : i32
      %lt3A_103 = arith.constant 50 : i32
      %lt3A_104 = arith.cmpi slt, %add3A_102, %lt3A_103 : i32
      %convert_element_type3A_105 = arith.extui %lt3A_104 : i1 to i32
      %cond3A_106 = arith.constant 0 : i32
      %cond3A_107 = arith.cmpi ne, %convert_element_type3A_105, %cond3A_106 : i32
      scf.if %cond3A_107 {
        %ge3A = arith.constant 3 : i32
        %ge3A_120 = arith.cmpi sge, %add3A_102, %ge3A : i32
        %convert_element_type3A_121 = arith.extui %ge3A_120 : i1 to i32
        %cond3A_122 = arith.constant 0 : i32
        %cond3A_123 = arith.cmpi ne, %convert_element_type3A_121, %cond3A_122 : i32
        scf.if %cond3A_123 {
          %dma_wait3A_130 = arith.constant 0 : i32
          %dma_wait3A_131 = tpu.memref_slice %arg4[%mul3A_2, %dma_wait3A_130] : memref<204800x128xf32, #tpu.memory_space<hbm>> -> memref<128x128xf32, #tpu.memory_space<hbm>>
          %dma_wait3A_132 = arith.constant 0 : i32
          %dma_wait3A_133 = tpu.memref_slice %arg4[%mul3A_2, %dma_wait3A_132] : memref<204800x128xf32, #tpu.memory_space<hbm>> -> memref<128x128xf32, #tpu.memory_space<hbm>>
          tpu.wait_dma2 semaphore(%arg14 : memref<!tpu.dma_semaphore, #tpu.memory_space<semaphore_mem>>) src(%arg8 : memref<128x128xf32, #tpu.memory_space<vmem>>) dst(%dma_wait3A_133 : memref<128x128xf32, #tpu.memory_space<hbm>>)
        } else {
        }
        %mul3A_124 = arith.constant 128 : i32
        %mul3A_125 = arith.muli %add3A_102, %mul3A_124 : i32
        %dma_start3A_126 = tpu.memref_slice %arg5[%mul3A_125] : memref<6400xi32, #tpu.memory_space<vmem>> -> memref<128xi32, #tpu.memory_space<vmem>>
        %dma_start3A_127 = arith.constant 0 : i32
        %dma_start3A_128 = arith.constant 0 : i32
        %dma_start3A_129 = tpu.memref_slice %arg6[%dma_start3A_127, %dma_start3A_128] : memref<8192x128xf32, #tpu.memory_space<vmem_shared>> -> memref<8192x128xf32, #tpu.memory_space<vmem_shared>>
        tpu.enqueue_indirect_dma source(%dma_start3A_129 : memref<8192x128xf32, #tpu.memory_space<vmem_shared>>) target(%arg8 : memref<128x128xf32, #tpu.memory_space<vmem>>) offsets(%dma_start3A_126 : memref<128xi32, #tpu.memory_space<vmem>>) semaphore(%arg11 : memref<!tpu.dma_semaphore, #tpu.memory_space<semaphore_mem>>)
      } else {
      }
      %dma_wait3A_108 = arith.constant 0 : i32
      %dma_wait3A_109 = tpu.memref_slice %arg5[%dma_wait3A_108] : memref<6400xi32, #tpu.memory_space<vmem>> -> memref<128xi32, #tpu.memory_space<vmem>>
      %dma_wait3A_110 = arith.constant 0 : i32
      %dma_wait3A_111 = arith.constant 0 : i32
      %dma_wait3A_112 = tpu.memref_slice %arg2[%dma_wait3A_110, %dma_wait3A_111] : memref<8192x128xf32, #tpu.memory_space<hbm>> -> memref<8192x128xf32, #tpu.memory_space<hbm>>
      tpu.wait_indirect_dma semaphore(%arg12 : memref<!tpu.dma_semaphore, #tpu.memory_space<semaphore_mem>>) src(%dma_wait3A_112 : memref<8192x128xf32, #tpu.memory_space<hbm>>) dst(%arg9 : memref<128x128xf32, #tpu.memory_space<vmem>>)
      %mul3A_113 = arith.constant 128 : i32
      %mul3A_114 = arith.muli %add3A_100, %mul3A_113 : i32
      %add3A_115 = arith.addi %mul3A_2, %mul3A_114 : i32
      %dma_start3A_116 = arith.constant 0 : i32
      %dma_start3A_117 = tpu.memref_slice %arg4[%add3A_115, %dma_start3A_116] : memref<204800x128xf32, #tpu.memory_space<hbm>> -> memref<128x128xf32, #tpu.memory_space<hbm>>
      %dma_start3A_118 = arith.constant 0 : i32
      %dma_start3A_119 = tpu.memref_slice %arg4[%add3A_115, %dma_start3A_118] : memref<204800x128xf32, #tpu.memory_space<hbm>> -> memref<128x128xf32, #tpu.memory_space<hbm>>
      tpu.enqueue_dma source(%arg9 : memref<128x128xf32, #tpu.memory_space<vmem>>) target(%dma_start3A_119 : memref<128x128xf32, #tpu.memory_space<hbm>>) target_semaphore(%arg15 : memref<!tpu.dma_semaphore, #tpu.memory_space<semaphore_mem>>)
    }
    %scan3A_19 = arith.constant 16 : i32
    %dma_wait3A = arith.constant 0 : i32
    %dma_wait3A_20 = tpu.memref_slice %arg5[%dma_wait3A] : memref<6400xi32, #tpu.memory_space<vmem>> -> memref<128xi32, #tpu.memory_space<vmem>>
    %dma_wait3A_21 = arith.constant 0 : i32
    %dma_wait3A_22 = arith.constant 0 : i32
    %dma_wait3A_23 = tpu.memref_slice %arg2[%dma_wait3A_21, %dma_wait3A_22] : memref<8192x128xf32, #tpu.memory_space<hbm>> -> memref<8192x128xf32, #tpu.memory_space<hbm>>
    tpu.wait_indirect_dma semaphore(%arg10 : memref<!tpu.dma_semaphore, #tpu.memory_space<semaphore_mem>>) src(%dma_wait3A_23 : memref<8192x128xf32, #tpu.memory_space<hbm>>) dst(%arg7 : memref<128x128xf32, #tpu.memory_space<vmem>>)
    %add3A_24 = arith.constant 6144 : i32
    %add3A_25 = arith.addi %mul3A_2, %add3A_24 : i32
    %dma_start3A_26 = arith.constant 0 : i32
    %dma_start3A_27 = tpu.memref_slice %arg4[%add3A_25, %dma_start3A_26] : memref<204800x128xf32, #tpu.memory_space<hbm>> -> memref<128x128xf32, #tpu.memory_space<hbm>>
    %dma_start3A_28 = arith.constant 0 : i32
    %dma_start3A_29 = tpu.memref_slice %arg4[%add3A_25, %dma_start3A_28] : memref<204800x128xf32, #tpu.memory_space<hbm>> -> memref<128x128xf32, #tpu.memory_space<hbm>>
    tpu.enqueue_dma source(%arg7 : memref<128x128xf32, #tpu.memory_space<vmem>>) target(%dma_start3A_29 : memref<128x128xf32, #tpu.memory_space<hbm>>) target_semaphore(%arg13 : memref<!tpu.dma_semaphore, #tpu.memory_space<semaphore_mem>>)
    %dma_wait3A_30 = arith.constant 0 : i32
    %dma_wait3A_31 = tpu.memref_slice %arg5[%dma_wait3A_30] : memref<6400xi32, #tpu.memory_space<vmem>> -> memref<128xi32, #tpu.memory_space<vmem>>
    %dma_wait3A_32 = arith.constant 0 : i32
    %dma_wait3A_33 = arith.constant 0 : i32
    %dma_wait3A_34 = tpu.memref_slice %arg2[%dma_wait3A_32, %dma_wait3A_33] : memref<8192x128xf32, #tpu.memory_space<hbm>> -> memref<8192x128xf32, #tpu.memory_space<hbm>>
    tpu.wait_indirect_dma semaphore(%arg11 : memref<!tpu.dma_semaphore, #tpu.memory_space<semaphore_mem>>) src(%dma_wait3A_34 : memref<8192x128xf32, #tpu.memory_space<hbm>>) dst(%arg8 : memref<128x128xf32, #tpu.memory_space<vmem>>)
    %add3A_35 = arith.constant 6272 : i32
    %add3A_36 = arith.addi %mul3A_2, %add3A_35 : i32
    %dma_start3A_37 = arith.constant 0 : i32
    %dma_start3A_38 = tpu.memref_slice %arg4[%add3A_36, %dma_start3A_37] : memref<204800x128xf32, #tpu.memory_space<hbm>> -> memref<128x128xf32, #tpu.memory_space<hbm>>
    %dma_start3A_39 = arith.constant 0 : i32
    %dma_start3A_40 = tpu.memref_slice %arg4[%add3A_36, %dma_start3A_39] : memref<204800x128xf32, #tpu.memory_space<hbm>> -> memref<128x128xf32, #tpu.memory_space<hbm>>
    tpu.enqueue_dma source(%arg8 : memref<128x128xf32, #tpu.memory_space<vmem>>) target(%dma_start3A_40 : memref<128x128xf32, #tpu.memory_space<hbm>>) target_semaphore(%arg14 : memref<!tpu.dma_semaphore, #tpu.memory_space<semaphore_mem>>)
    %dma_wait3A_41 = arith.constant 0 : i32
    %dma_wait3A_42 = tpu.memref_slice %arg4[%mul3A_2, %dma_wait3A_41] : memref<204800x128xf32, #tpu.memory_space<hbm>> -> memref<128x128xf32, #tpu.memory_space<hbm>>
    %dma_wait3A_43 = arith.constant 0 : i32
    %dma_wait3A_44 = tpu.memref_slice %arg4[%mul3A_2, %dma_wait3A_43] : memref<204800x128xf32, #tpu.memory_space<hbm>> -> memref<128x128xf32, #tpu.memory_space<hbm>>
    tpu.wait_dma2 semaphore(%arg13 : memref<!tpu.dma_semaphore, #tpu.memory_space<semaphore_mem>>) src(%arg7 : memref<128x128xf32, #tpu.memory_space<vmem>>) dst(%dma_wait3A_44 : memref<128x128xf32, #tpu.memory_space<hbm>>)
    %dma_wait3A_45 = arith.constant 0 : i32
    %dma_wait3A_46 = tpu.memref_slice %arg4[%mul3A_2, %dma_wait3A_45] : memref<204800x128xf32, #tpu.memory_space<hbm>> -> memref<128x128xf32, #tpu.memory_space<hbm>>
    %dma_wait3A_47 = arith.constant 0 : i32
    %dma_wait3A_48 = tpu.memref_slice %arg4[%mul3A_2, %dma_wait3A_47] : memref<204800x128xf32, #tpu.memory_space<hbm>> -> memref<128x128xf32, #tpu.memory_space<hbm>>
    tpu.wait_dma2 semaphore(%arg14 : memref<!tpu.dma_semaphore, #tpu.memory_space<semaphore_mem>>) src(%arg8 : memref<128x128xf32, #tpu.memory_space<vmem>>) dst(%dma_wait3A_48 : memref<128x128xf32, #tpu.memory_space<hbm>>)
    %dma_wait3A_49 = arith.constant 0 : i32
    %dma_wait3A_50 = tpu.memref_slice %arg4[%mul3A_2, %dma_wait3A_49] : memref<204800x128xf32, #tpu.memory_space<hbm>> -> memref<128x128xf32, #tpu.memory_space<hbm>>
    %dma_wait3A_51 = arith.constant 0 : i32
    %dma_wait3A_52 = tpu.memref_slice %arg4[%mul3A_2, %dma_wait3A_51] : memref<204800x128xf32, #tpu.memory_space<hbm>> -> memref<128x128xf32, #tpu.memory_space<hbm>>
    tpu.wait_dma2 semaphore(%arg15 : memref<!tpu.dma_semaphore, #tpu.memory_space<semaphore_mem>>) src(%arg9 : memref<128x128xf32, #tpu.memory_space<vmem>>) dst(%dma_wait3A_52 : memref<128x128xf32, #tpu.memory_space<hbm>>)
    return
  }
}

</mosaic_0001>

<sc_bundles>
// kernel: sc_embedding_gather.3.cloned.1.call-start
scs
__scs_entry_jumppad:
0x0: {  	(pc) =	sbr.rel $0x88, $3  }
0x1: {  	(tag) =	ssettag $0x0;
	lr =	simm.s32 $0x1  }
0x2: {  	[smem:$0x3F9F] =	sst lr;
	_ =	strace $0xD0000000  }
0x3: {  	_ = 	snop  }
0x4: {  	_ = 	snop  }
0x5: {  	_ = 	snop  }
0x6: {  	_ = 	snop  }
0x7: {  	_ = 	snop  }
__scs_overlays_trampoline_lowered:
0x8: {  	[smem:$0x3FAE] =	sst s0  }
0x9: {  	[smem:$0x3FAF] =	sst s1  }
0xa: {  	[smem:$0x3FB0] =	sst s2  }
0xb: {  	[smem:$0x3FB1] =	sst s3  }
0xc: {  	[smem:$0x3FB2] =	sst s4  }
0xd: {  	[smem:$0x3FB3] =	sst s5  }
0xe: {  	[smem:$0x3FB4] =	sst s6  }
0xf: {  	[smem:$0x3FB5] =	sst s7  }
0x10: {  	[smem:$0x3FB6] =	sst s8  }
0x11: {  	[smem:$0x3FB7] =	sst s9;
	s0 =	simm.s32 @!p0 $0x0  }
0x12: {  	s1 =	sld [smem:$0x3F9D];
	s0 =	simm.s32 @p0 $0x1  }
0x13: {  	[smem:$0x3FB8] =	sst s0;
	s0 =	simm.s32 @!p1 $0x0  }
0x14: {  	s2 =	sld [smem:$0x3F9C];
	s0 =	simm.s32 @p1 $0x1  }
0x15: {  	[smem:$0x3FB9] =	sst s0;
	s0 =	simm.s32 @!p2 $0x0  }
0x16: {  	s3 =	sld [smem:$0x3FDB];
	s0 =	simm.s32 @p2 $0x1  }
0x17: {  	s4 =	simm.s32 $0x1BF5;
	[smem:$0x3FBB] =	sst s0  }
0x18: {  	s0 =	sld [smem:$0x3F9E];
	_ =	swait.ge [sflag:s4], $0x0  }
0x19: {  	s7 =	sld [smem:$0x3F9F]  }
0x1a: {  	s8 =	sadd.s32 $0xFFFFE003, lr  }
0x1b: {  	s9 =	sadd.s32 $0xFFFFFEF7, lr;
	s5 =	simm.s32 $0xFFFFFFFF;
	p2 =	slt.u32 s8, $0xFFFFF086  }
0x1c: {  	p1 =	slt.u32 s9, $0xF7A;
	s5 =	simm.s32 @!p2 $0x0  }
0x1d: {  	s5 =	simm.s32 @p1 $0x1;
	p0 =	seq.s32 s7, s2  }
0x1e: {  	s7 =	smul.u32 @!p0 $0xF7A, s2;
	p2 =	seq.s32 @!p0 s5, $0x0  }
0x1f: {  	s9 =	smul.u32 $0xF7A, s1;
	s8 =	simm.s32 @!p0 $0x1BF5;
	p2 =	por !p2, p0  }
0x20: {  	[sflag:s8] =	ssyncset.s32 @!p0 $0xFFFFF086;
	s6 =	sadd.s32 @!p0 s3, s7;
	s7 =	simm.s32 @!p0 $0x108  }
0x21: {  	s3 =	sadd.s32 s3, s9;
	s6 =	sadd.s32 @!p0 $0x88, s6;
	s7 =	simm.s32 @p2 $0x1082  }
0x22: {  	[simem:s7], [sflag:s8] =	dma.local @!p0 [hbm:s6], $0xF7A  }
0x23: {  	s9 =	sor.u32 $0xD0000000, s2;
	s6 =	simm.s32 $0x108;
	_ =	swait.ge @!p0 [sflag:s8], $0x0  }
0x24: {  	s3 =	sadd.s32 $0x88, s3;
	s6 =	simm.s32 @!p1 $0x1082;
	[sflag:s4] =	ssyncset.s32 $0xFFFFF086  }
0x25: {  	[simem:s6], [sflag:s4] =	dma.local [hbm:s3], $0xF7A  }
0x26: {  	[smem:$0x3F9F] =	sst s1;
	(tag) =	ssettag s2;
	_ =	strace s9  }
0x27: {  	s1 =	sld [smem:$0x3FAF]  }
0x28: {  	s2 =	sld [smem:$0x3FB0]  }
0x29: {  	s4 =	sld [smem:$0x3FB2]  }
0x2a: {  	p0 =	seq.s32 s5, $0x0;
	s5 =	sld [smem:$0x3FB3]  }
0x2b: {  	s6 =	sld [smem:$0x3FB4]  }
0x2c: {  	s7 =	sld [smem:$0x3FB5]  }
0x2d: {  	s3 =	simm.s32 $0x108;
	s8 =	sld [smem:$0x3FB6]  }
0x2e: {  	s3 =	simm.s32 @!p0 $0x1082;
	s9 =	sld [smem:$0x3FB7]  }
0x2f: {  	lr =	sadd.s32 s0, s3;
	s0 =	sld [smem:$0x3FAE]  }
0x30: {  	s3 =	sld [smem:$0x3FB1]  }
0x31: {  	[smem:$0x3FBA] =	sst s10  }
0x32: {  	s10 =	sld [smem:$0x3FB8];
	_ =	sdelay $0x3  }
0x33: {  	p0 =	seq.s32 s10, $0x1;
	s10 =	sld [smem:$0x3FBA];
	_ =	sdelay $0x3  }
0x34: {  	[smem:$0x3FBA] =	sst s10  }
0x35: {  	s10 =	sld [smem:$0x3FB9];
	_ =	sdelay $0x3  }
0x36: {  	p1 =	seq.s32 s10, $0x1;
	s10 =	sld [smem:$0x3FBA];
	_ =	sdelay $0x3  }
0x37: {  	[smem:$0x3FBA] =	sst s10  }
0x38: {  	s10 =	sld [smem:$0x3FBB]  }
0x39: {  	_ = 	snop;
	(pc) =	sbr.ind lr, $3  }
0x3a: {  	_ = 	snop  }
0x3b: {  	_ = 	snop  }
0x3c: {  	p2 =	seq.s32 s10, $0x1;
	s10 =	sld [smem:$0x3FBA]  }
0x3d: {  	_ =	shalt  }
0x3e: {  	_ =	shalt  }
0x3f: {  	_ =	shalt  }
0x40: {  	_ =	shalt  }
0x41: {  	_ =	shalt  }
0x42: {  	_ =	shalt  }
0x43: {  	_ =	shalt  }
0x44: {  	_ =	shalt  }
0x45: {  	_ =	shalt  }
0x46: {  	_ =	shalt  }
0x47: {  	_ =	shalt  }
0x48: {  	_ =	shalt  }
0x49: {  	_ =	shalt  }
0x4a: {  	_ =	shalt  }
0x4b: {  	_ =	shalt  }
0x4c: {  	_ =	shalt  }
0x4d: {  	_ =	shalt  }
0x4e: {  	_ =	shalt  }
0x4f: {  	_ =	shalt  }
0x50: {  	_ =	shalt  }
0x51: {  	_ =	shalt  }
0x52: {  	_ =	shalt  }
0x53: {  	_ =	shalt  }
0x54: {  	_ =	shalt  }
0x55: {  	_ =	shalt  }
0x56: {  	_ =	shalt  }
0x57: {  	_ =	shalt  }
0x58: {  	_ =	shalt  }
0x59: {  	_ =	shalt  }
0x5a: {  	_ =	shalt  }
0x5b: {  	_ =	shalt  }
0x5c: {  	_ =	shalt  }
0x5d: {  	_ =	shalt  }
0x5e: {  	_ =	shalt  }
0x5f: {  	_ =	shalt  }
0x60: {  	_ =	shalt  }
0x61: {  	_ =	shalt  }
0x62: {  	_ =	shalt  }
0x63: {  	_ =	shalt  }
0x64: {  	_ =	shalt  }
0x65: {  	_ =	shalt  }
0x66: {  	_ =	shalt  }
0x67: {  	_ =	shalt  }
0x68: {  	_ =	shalt  }
0x69: {  	_ =	shalt  }
0x6a: {  	_ =	shalt  }
0x6b: {  	_ =	shalt  }
0x6c: {  	_ =	shalt  }
0x6d: {  	_ =	shalt  }
0x6e: {  	_ =	shalt  }
0x6f: {  	_ =	shalt  }
0x70: {  	_ =	shalt  }
0x71: {  	_ =	shalt  }
0x72: {  	_ =	shalt  }
0x73: {  	_ =	shalt  }
0x74: {  	_ =	shalt  }
0x75: {  	_ =	shalt  }
0x76: {  	_ =	shalt  }
0x77: {  	_ =	shalt  }
0x78: {  	_ =	shalt  }
0x79: {  	_ =	shalt  }
0x7a: {  	_ =	shalt  }
0x7b: {  	_ =	shalt  }
0x7c: {  	_ =	shalt  }
0x7d: {  	_ =	shalt  }
0x7e: {  	_ =	shalt  }
0x7f: {  	_ =	shalt  }
0x80: {  	_ =	shalt  }
0x81: {  	_ =	shalt  }
0x82: {  	_ =	shalt  }
0x83: {  	_ =	shalt  }
0x84: {  	_ =	shalt  }
0x85: {  	_ =	shalt  }
0x86: {  	_ =	shalt  }
0x87: {  	_ =	shalt  }
.Lfunc_end0:
.L_simem_size_0:
called_computation_lowered:
.L_overlay_start_0:
0x88: {  	s2 =	sld [smem:$0x3FD9]  }
0x89: {  	s3 =	sld [smem:$0x3FFE];
	_ =	sdelay $0x1  }
0x8a: {  	s1 =	srdreg.scid  }
0x8b: {  	s0 =	sand.u32 $0x1, s1  }
0x8c: {  	s17 =	sshll.u32 s0, $0xA;
	s2 =	sadd.s32 s3, s2  }
0x8d: {  	s2 =	sadd.s32 s2, s17  }
0x8e: {  	[smem:$0x3FC6] =	sst s2  }
0x8f: {  	_ = 	snop  }
0x90: {  	s2 =	sld [smem:$0x3FC8]  }
0x91: {  	s18 =	sld [smem:$0x3FD0];
	(tm) =	ssettm $0x1  }
0x92: {  	s4 =	sld [smem:$0x3FFB];
	_ =	sdelay $0x3  }
0x93: {  	_ =	strace s4  }
0x94: {  	s4 =	sld [smem:$0x3FFC];
	_ =	sdelay $0x3  }
0x95: {  	_ =	strace s4  }
0x96: {  	s4 =	sld [smem:$0x3FFD];
	_ =	sdelay $0x3  }
0x97: {  	_ =	strace s4  }
0x98: {  	_ =	strace $0x8FFFFFFF  }
0x99: {  	s19 =	sld [smem:$0x3FDB];
	_ =	sdelay $0x1  }
0x9a: {  	s5 =	simm.s32 $_scs_section_size  }
0x9b: {  	s6 =	simm.s32 $_size__tile_overlayer_lowered;
	s7 =	simm.s32 $_tile_overlayer_lowered  }
0x9c: {  	s22 =	simm.s32 $0x1BFF;
	s21 =	sshll.u32 s7, $0x1;
	s4 =	sadd.s32 s5, s19  }
0x9d: {  	s8 =	simm.s32 $0x0;
	s20 =	sshll.u32 s6, $0x1;
	s6 =	sadd.s32 s21, s4  }
0x9e: {  	[timem:s8], [sflag:s22] =	dma.local [hbm:s6], s20  }
0x9f: {  	_ =	swait.ge [sflag:s22], s20  }
0xa0: {  	s5 =	ssub.s32 $0x0, s20;
	[sflag:s22] =	ssyncset.done $0x0  }
0xa1: {  	[sflag:s22] =	ssyncadd.s32 s5;
	_ =	sdelay $0x1  }
0xa2: {  	s23 =	simm.s32 $0x1B8B  }
0xa3: {  	_ =	swait.ge [sflag:s23], $0x1  }
0xa4: {  	[sflag:s23] =	ssyncset.done $0x0  }
0xa5: {  	s25 =	simm.s32 $0x1B8E;
	s24 =	sld [smem:$0x3FFE];
	[sflag:s23] =	ssyncadd.s32 $0xFFFFFFFF  }
0xa6: {  	s26 =	simm.s32 $execute0_lowered;
	[smem:$0x3FD2] =	sst s25  }
0xa7: {  	s6 =	sshll.u32 s26, $0x1;
	_ =	strace $0x80000046;
	[dreg:$0x1] =	wrdreg $0xFFFFFFFF  }
0xa8: {  	s28 =	simm.s32 $_size_execute0_lowered;
	s4 =	sadd.s32 s4, s6;
	[dreg:$0x0] =	wrdreg $0x0  }
0xa9: {  	s6 =	sshll.u32 s28, $0x1;
	[dreg:$0x2] =	wrdreg s4  }
0xaa: {  	[dreg:$0x3] =	wrdreg s6  }
0xab: {  	[dreg:$0x4] =	wrdreg $0xC0  }
0xac: {  	_ =	task [dreg:s8], $0x5FFFF  }
0xad: {  	[dreg:$0x1] =	wrdreg $0xFFFFFFFF  }
0xae: {  	[dreg:$0x0] =	wrdreg $0x60  }
0xaf: {  	[dreg:$0x2] =	wrdreg s2  }
0xb0: {  	[dreg:$0x3] =	wrdreg s24  }
0xb1: {  	[dreg:$0x4] =	wrdreg s18  }
0xb2: {  	[dreg:$0x5] =	wrdreg $0x19000  }
0xb3: {  	[dreg:$0x6] =	wrdreg $0x9  }
0xb4: {  	_ =	task.clear_ibuf [dreg:s8], $0x7FFFF;
	_ =	strace $0x90000046  }
0xb5: {  	s29 =	simm.s32 $0x9;
	_ =	strace $0x80000048  }
0xb6: {  	_ =	swait.ge [sflag:s29], $0x1  }
0xb7: {  	[sflag:s29] =	ssyncadd.s32 $0xFFFFFFFF  }
0xb8: {  	_ =	strace $0x90000048  }
0xb9: {  	_ =	sfence  }
0xba: {  	s30 =	sld [smem:$0x0];
	_ =	sdelay $0x2  }
0xbb: {  	s31 =	sshll.u32 s1, $0xD;
	s1 =	sshrl.u32 s1, $0x2  }
0xbc: {  	s3 =	sand.u32 $0x4000, s31;
	s1 =	sadd.s32 s1, s30  }
0xbd: {  	s0 =	sor.u32 s3, s0;
	s1 =	sshll.u32 s1, $0x11  }
0xbe: {  	s0 =	sor.u32 s1, s0  }
0xbf: {  	s0 =	sadd.s32 $0x8F2B, s0  }
0xc0: {  	[sflag:s0] =	ssyncadd.remote.s32 $0x1  }
0xc1: {  	_ =	sfence.sel $0xFFFF  }
0xc2: {  	[dreg:$0x0] =	wrdreg $0xFFFFFFFF;
	(pc) =	sbr.abs _section_cstart, $3  }
0xc3: {  	[dreg:$0x1] =	wrdreg $0xFFFFFFFF  }
0xc4: {  	_ =	task.clear_ibuf [dreg:s8], $0x2FFFF;
	_ =	strace $0x9FFFFFFF  }
0xc5: {  	(tm) =	ssettm $0x7FFFFFFF  }
tec
execute0_lowered:
.L_overlay_start_1:
0x0: {  	(tag) =	ssettag $0x1  }
0x1: {  	s0 =	rddreg [dreg:$0x0]  }
0x2: {  	s1 =	srdreg.scid;
	s4 =	rddreg [dreg:$0x1]  }
0x3: {  	s16 =	stileid.u32;
	s14 =	rddreg [dreg:$0x2];
	s3 =	simm.s32 $0x0  }
0x4: {  	s17 =	simm.s32 $0x80;
	s18 =	simm.s32 $0x11900;
	s19 =	simm.s32 $0x15900  }
0x5: {  	s29 =	simm.s32 $0x3;
	s30 =	simm.s32 $0x6;
	s1 =	sand.u32 $0x1, s1  }
0x6: {  	s2 =	sshll.u32 s16, $0x1;
	s21 =	sshll.u32 s16, $0x10;
	s11 =	smul.u32 $0x190000, s16  }
0x7: {  	s22 =	sshll.u32 s16, $0xD;
	s23 =	sshll.u32 s16, $0x6;
	s16 =	smul.u32 $0x32000, s16  }
0x8: {  	s31 =	simm.s32 $0x0;
	[smem:$0x7FF] =	sst s3;
	s13 =	smul.u32 $0xC8000, s1  }
0x9: {  	s6 =	sor.u32 s1, s2;
	s5 =	ssub.s32 $0x2, s1;
	s1 =	smul.u32 $0x19000, s1  }
0xa: {  	s2 =	rddreg [dreg:$0x3];
	_ =	strace $0x80000047;
	s7 =	smul.u32 $0x1900, s6  }
0xb: {  	s9 =	sshrl.u32 s5, $0x1;
	s10 =	smul.u32 $0xC8000, s6;
	s15 =	sadd.s32 s21, s2  }
0xc: {  	s25 =	smul.u32 $0x19000, s6;
	s26 =	sadd.s32 s16, s14;
	s16 =	simm.s32 $0x7  }
0xd: {  	s21 =	simm.s32 $0x19900;
	s9 =	ssub.s32 s5, s9;
	s5 =	sor.u32 $0x1C07, s23  }
0xe: {  	s13 =	sadd.s32 s13, s11;
	s15 =	sshrl.u32 s15, $0x3;
	s23 =	simm.s32 $0x4  }
0xf: {  	s8 =	sshrl.u32 s7, $0x3;
	s24 =	sshrl.u32 s10, $0x3;
	s12 =	sshll.u32 s7, $0x4  }
0x10: {  	s9 =	smax.u32 s9, $0x1;
	s10 =	sadd.s32 s14, s25;
	s13 =	sadd.s32 $0x14000, s13  }
0x11: {  	s25 =	simm.s32 $0x2;
	s8 =	sadd.s32 s8, s4;
	s4 =	sadd.s32 s0, s22  }
0x12: {  	s0 =	sadd.s32 s14, s24;
	s12 =	sadd.s32 s12, s14;
	s28 =	sshrl.u32 s13, $0x3  }
0x13: {  	s13 =	sadd.s32 s1, s26;
	s22 =	simm.s32 $0x1;
	s26 =	simm.s32 $0x5  }
0x14: {  	s6 =	sadd.s32 $0x400, s8;
	s7 =	sadd.s32 $0x18000, s0;
	s8 =	sadd.s32 $0x18800, s0  }
0x15: {  	s11 =	sadd.s32 $0x800, s12;
	s12 =	sadd.s32 $0x1000, s0;
	s14 =	sadd.s32 s28, s14  }
.LBB2_1:
0x16: {  	[spmem:s15], [sflag:s5] =	dma.local [hbm:s4], $0x2000  }
0x17: {  	_ =	swait.ge [sflag:s16], $0x2000  }
0x18: {  	[sflag:s16] =	ssyncset.done $0x0  }
0x19: {  	[sflag:s16] =	ssyncadd.s32 $0xFFFFE000  }
0x1a: {  	[tilespmem:s3], [sflag:$0x7] =	stream.linear.gather [hbm4b:s6+s3], $0x1900, $0x38;
	[tilespmem:$0x1D900] =	vst v63  }
0x1b: {  	_ =	swait.ge [sflag:s16], $0x1900  }
0x1c: {  	[sflag:s16] =	ssyncset.done $0x0  }
0x1d: {  	[sflag:s16] =	ssyncadd.s32 $0xFFFFE700  }
0x1e: {  	[bflag:$0x0] =	sbarrier.arrive $0xFFFF  }
0x1f: {  	[tilespmem:s18], [sflag:$0x1] =	stream.indirect.gather [spmem:s2], $0x80, s3, s17, $0xb8;
	[tilespmem:$0x1D900] =	vst v63  }
0x20: {  	_ = 	snop  }
0x21: {  	[tilespmem:s19], [sflag:$0x2] =	stream.indirect.gather [spmem:s2], $0x80, s17, s17, $0xb8;
	[tilespmem:$0x1D900] =	vst v63  }
0x22: {  	s0 =	simm.s32 $0x100  }
0x23: {  	[tilespmem:s21], [sflag:$0x3] =	stream.indirect.gather [spmem:s2], $0x80, s0, s17, $0xb8;
	[tilespmem:$0x1D900] =	vst v63  }
0x24: {  	_ =	swait.ge [sflag:s22], $0x4000  }
0x25: {  	[sflag:s22] =	ssyncset.done $0x0  }
0x26: {  	[sflag:s22] =	ssyncadd.s32 $0xFFFFC000  }
0x27: {  	[hbm4b:s10+s3] =	stream.linear.scatter [tilespmem:s18], [sflag:$0x4], $0x4000, $0x38;
	[tilespmem:$0x1D900] =	vst v63  }
0x28: {  	_ =	swait.ge [sflag:s23], $0x4000  }
0x29: {  	[sflag:s23] =	ssyncset.done $0x0  }
0x2a: {  	s24 =	simm.s32 $0x180;
	[sflag:s23] =	ssyncadd.s32 $0xFFFFC000  }
0x2b: {  	[tilespmem:s18], [sflag:$0x1] =	stream.indirect.gather [spmem:s2], $0x80, s24, s17, $0xb8;
	[tilespmem:$0x1D900] =	vst v63  }
0x2c: {  	_ =	swait.ge [sflag:s25], $0x4000  }
0x2d: {  	[sflag:s25] =	ssyncset.done $0x0  }
0x2e: {  	[sflag:s25] =	ssyncadd.s32 $0xFFFFC000  }
0x2f: {  	[hbm4b:s11+s3] =	stream.linear.scatter [tilespmem:s19], [sflag:$0x5], $0x4000, $0x38;
	[tilespmem:$0x1D900] =	vst v63  }
0x30: {  	_ =	swait.ge [sflag:s26], $0x4000  }
0x31: {  	[sflag:s26] =	ssyncset.done $0x0  }
0x32: {  	s28 =	simm.s32 $0x200;
	[sflag:s26] =	ssyncadd.s32 $0xFFFFC000  }
0x33: {  	[tilespmem:s19], [sflag:$0x2] =	stream.indirect.gather [spmem:s2], $0x80, s28, s17, $0xb8;
	[tilespmem:$0x1D900] =	vst v63  }
0x34: {  	_ =	swait.ge [sflag:s29], $0x4000  }
0x35: {  	[sflag:s29] =	ssyncset.done $0x0  }
0x36: {  	[sflag:s29] =	ssyncadd.s32 $0xFFFFC000  }
0x37: {  	[hbm4b:s12+s3] =	stream.linear.scatter [tilespmem:s21], [sflag:$0x6], $0x4000, $0x38;
	[tilespmem:$0x1D900] =	vst v63  }
0x38: {  	_ =	swait.ge [sflag:s30], $0x4000  }
0x39: {  	[sflag:s30] =	ssyncset.done $0x0  }
0x3a: {  	s1 =	simm.s32 $0x280;
	[sflag:s30] =	ssyncadd.s32 $0xFFFFC000  }
0x3b: {  	[tilespmem:s21], [sflag:$0x3] =	stream.indirect.gather [spmem:s2], $0x80, s1, s17, $0xb8;
	[tilespmem:$0x1D900] =	vst v63  }
0x3c: {  	_ =	swait.ge [sflag:s22], $0x4000  }
0x3d: {  	s20 =	sadd.s32 $0x0, s13;
	[sflag:s22] =	ssyncset.done $0x0  }
0x3e: {  	s1 =	sadd.s32 $0x1800, s20;
	[sflag:s22] =	ssyncadd.s32 $0xFFFFC000  }
0x3f: {  	[hbm4b:s1+s3] =	stream.linear.scatter [tilespmem:s18], [sflag:$0x4], $0x4000, $0x38;
	[tilespmem:$0x1D900] =	vst v63  }
0x40: {  	_ =	swait.ge [sflag:s23], $0x4000  }
0x41: {  	[sflag:s23] =	ssyncset.done $0x0  }
0x42: {  	s24 =	simm.s32 $0x300;
	[sflag:s23] =	ssyncadd.s32 $0xFFFFC000  }
0x43: {  	[tilespmem:s18], [sflag:$0x1] =	stream.indirect.gather [spmem:s2], $0x80, s24, s17, $0xb8;
	[tilespmem:$0x1D900] =	vst v63  }
0x44: {  	_ =	swait.ge [sflag:s25], $0x4000  }
0x45: {  	[sflag:s25] =	ssyncset.done $0x0  }
0x46: {  	s0 =	sadd.s32 $0x2000, s20;
	[sflag:s25] =	ssyncadd.s32 $0xFFFFC000  }
0x47: {  	[hbm4b:s0+s3] =	stream.linear.scatter [tilespmem:s19], [sflag:$0x5], $0x4000, $0x38;
	[tilespmem:$0x1D900] =	vst v63  }
0x48: {  	_ =	swait.ge [sflag:s26], $0x4000  }
0x49: {  	[sflag:s26] =	ssyncset.done $0x0  }
0x4a: {  	s28 =	simm.s32 $0x380;
	[sflag:s26] =	ssyncadd.s32 $0xFFFFC000  }
0x4b: {  	[tilespmem:s19], [sflag:$0x2] =	stream.indirect.gather [spmem:s2], $0x80, s28, s17, $0xb8;
	[tilespmem:$0x1D900] =	vst v63  }
0x4c: {  	_ =	swait.ge [sflag:s29], $0x4000  }
0x4d: {  	s20 =	sadd.s32 $0x0, s14;
	[sflag:s29] =	ssyncset.done $0x0  }
0x4e: {  	s1 =	simm.s32 $0x1800;
	s0 =	simm.s32 $0x400;
	[sflag:s29] =	ssyncadd.s32 $0xFFFFC000  }
.LBB2_2:
0x4f: {  	[hbm4b:s20+s3] =	stream.linear.scatter [tilespmem:s21], [sflag:$0x6], $0x4000, $0x38;
	[tilespmem:$0x1D900] =	vst v63  }
0x50: {  	s20 =	smov.u32 s1  }
0x51: {  	p0 =	sne.s32 s1, $0x15000;
	s1 =	sadd.s32 $0x1800, s1;
	_ =	swait.ge [sflag:s30], $0x4000  }
0x52: {  	[sflag:s30] =	ssyncset.done $0x0  }
0x53: {  	[sflag:s30] =	ssyncadd.s32 $0xFFFFC000  }
0x54: {  	[tilespmem:s21], [sflag:$0x3] =	stream.indirect.gather [spmem:s2], $0x80, s0, s17, $0xb8;
	[tilespmem:$0x1D900] =	vst v63  }
0x55: {  	_ =	swait.ge [sflag:s22], $0x4000  }
0x56: {  	s24 =	sadd.s32 s20, s13;
	[sflag:s22] =	ssyncset.done $0x0  }
0x57: {  	s28 =	sadd.s32 $0x1800, s24;
	[sflag:s22] =	ssyncadd.s32 $0xFFFFC000  }
0x58: {  	[hbm4b:s28+s3] =	stream.linear.scatter [tilespmem:s18], [sflag:$0x4], $0x4000, $0x38;
	[tilespmem:$0x1D900] =	vst v63  }
0x59: {  	_ =	swait.ge [sflag:s23], $0x4000  }
0x5a: {  	[sflag:s23] =	ssyncset.done $0x0  }
0x5b: {  	s28 =	sadd.s32 $0x80, s0;
	[sflag:s23] =	ssyncadd.s32 $0xFFFFC000  }
0x5c: {  	[tilespmem:s18], [sflag:$0x1] =	stream.indirect.gather [spmem:s2], $0x80, s28, s17, $0xb8;
	[tilespmem:$0x1D900] =	vst v63  }
0x5d: {  	_ =	swait.ge [sflag:s25], $0x4000  }
0x5e: {  	[sflag:s25] =	ssyncset.done $0x0  }
0x5f: {  	s24 =	sadd.s32 $0x2000, s24;
	[sflag:s25] =	ssyncadd.s32 $0xFFFFC000  }
0x60: {  	[hbm4b:s24+s3] =	stream.linear.scatter [tilespmem:s19], [sflag:$0x5], $0x4000, $0x38;
	[tilespmem:$0x1D900] =	vst v63  }
0x61: {  	_ =	swait.ge [sflag:s26], $0x4000  }
0x62: {  	[sflag:s26] =	ssyncset.done $0x0  }
.Ltmp0:
0x63: {  	s24 =	sadd.s32 $0x100, s0;
	[sflag:s26] =	ssyncadd.s32 $0xFFFFC000;
	(pc) =	sbr.rel @p0 .LBB2_2-.Ltmp0, $4  }
0x64: {  	[tilespmem:s19], [sflag:$0x2] =	stream.indirect.gather [spmem:s2], $0x80, s24, s17, $0xb8;
	[tilespmem:$0x1D900] =	vst v63  }
0x65: {  	_ =	swait.ge [sflag:s29], $0x4000  }
0x66: {  	[sflag:s29] =	ssyncset.done $0x0  }
0x67: {  	s20 =	sadd.s32 s20, s14;
	s0 =	sadd.s32 $0x180, s0;
	[sflag:s29] =	ssyncadd.s32 $0xFFFFC000  }
0x68: {  	[hbm4b:s20+s3] =	stream.linear.scatter [tilespmem:s21], [sflag:$0x6], $0x4000, $0x38;
	[tilespmem:$0x1D900] =	vst v63  }
0x69: {  	_ =	swait.ge [sflag:s22], $0x4000  }
0x6a: {  	[sflag:s22] =	ssyncset.done $0x0  }
0x6b: {  	[sflag:s22] =	ssyncadd.s32 $0xFFFFC000  }
0x6c: {  	[hbm4b:s7+s3] =	stream.linear.scatter [tilespmem:s18], [sflag:$0x4], $0x4000, $0x38;
	[tilespmem:$0x1D900] =	vst v63  }
0x6d: {  	_ =	swait.ge [sflag:s25], $0x4000  }
0x6e: {  	[sflag:s25] =	ssyncset.done $0x0  }
0x6f: {  	[sflag:s25] =	ssyncadd.s32 $0xFFFFC000  }
0x70: {  	[hbm4b:s8+s3] =	stream.linear.scatter [tilespmem:s19], [sflag:$0x5], $0x4000, $0x38;
	[tilespmem:$0x1D900] =	vst v63  }
0x71: {  	_ =	swait.ge [sflag:s23], $0x4000  }
0x72: {  	[sflag:s23] =	ssyncset.done $0x0  }
0x73: {  	s31 =	sadd.s32 $0x1, s31;
	[sflag:s23] =	ssyncadd.s32 $0xFFFFC000  }
0x74: {  	p0 =	sne.s32 s31, s9;
	_ =	swait.ge [sflag:s26], $0x4000  }
.Ltmp1:
0x75: {  	[sflag:s26] =	ssyncset.done $0x0;
	(pc) =	sbr.rel @p0 .LBB2_1-.Ltmp1, $4  }
0x76: {  	[sflag:s26] =	ssyncadd.s32 $0xFFFFC000  }
0x77: {  	_ =	swait.ge [sflag:s30], $0x4000  }
0x78: {  	[sflag:s30] =	ssyncset.done $0x0  }
0x79: {  	[sflag:s30] =	ssyncadd.s32 $0xFFFFC000  }
0x7a: {  	_ =	sfence.sel $0x180000  }
0x7b: {  	[bflag:$0x0] =	sbarrier.arrive $0xFFFF  }
0x7c: {  	_ =	strace $0x90000047  }
0x7d: {  	s0 =	stileid.u32;
	[bflag:$0x2] =	sbarrier.arrive $0xFFFF  }
0x7e: {  	p0 =	sne.s32 s0, $0x0;
	s0 =	rddreg [dreg:$0x4]  }
0x7f: {  	s0 =	sadd.s32 @!p0 $0x100000, s0  }
0x80: {  	[sflag:s0] =	ssyncadd.tile.s32 @!p0 $0x1;
	_ =	shalt  }
.Lfunc_end2:
_tile_overlayer_lowered:
.L_overlay_start_2:
0x81: {  	(tag) =	ssettag $0x2  }
0x82: {  	s0 =	rddreg [dreg:$0x0];
	s2 =	stileid.u32  }
0x83: {  	s1 =	rddreg [dreg:$0x1];
	p0 =	sne.s32 s2, $0x0  }
0x84: {  	s3 =	rddreg [dreg:$0x2];
	[bflag:$0x3] =	sbarrier.arrive $0xFFFF;
	s2 =	simm.s32 @!p0 $0x1C07  }
0x85: {  	[timem:s3], [sflag:s2] =	dma.local @!p0 [hbm:s0], s1  }
0x86: {  	s0 =	simm.s32 @!p0 $0x7  }
0x87: {  	_ =	swait.ge @!p0 [sflag:s0], s1  }
0x88: {  	s1 =	ssub.s32 @!p0 $0x0, s1;
	[sflag:s0] =	ssyncset.done @!p0 $0x0  }
0x89: {  	[sflag:s0] =	ssyncadd.s32 @!p0 s1  }
0x8a: {  	[bflag:$0x3] =	sbarrier.arrive $0xFFFF  }
0x8b: {  	_ =	shalt  }

</sc_bundles>
